<compile_context>
chip_gen: v7x
topology: tpu7x:2x2x1
jax: 0.10.2.dev20260603
libtpu: 0.0.44.dev20260713+nightly
codegen_flags: <defaults>
</compile_context>

<pallas_src>
import functools

import jax
import jax.numpy as jnp
from jax import lax
from jax.experimental import pallas as pl
from jax.experimental.pallas import tpu as pltpu
from jax.experimental.pallas import tpu_sc as plsc

B = 8192
K = 8192
D = 32
BM = 2048
NC = 2
NS = 16
NW = NC * NS
BPW = B // NW
LANES = 16
CCOST = 0.25


KC = 2048


def _argmin_body(z_ref, emb_ref, embt_ref, idx_ref, loss_ref):
    i = pl.program_id(0)
    z = z_ref[...]
    zb = z.astype(jnp.bfloat16)
    zsq = jnp.sum(z * z, axis=1, keepdims=True)
    cols = lax.broadcasted_iota(jnp.int32, (BM, KC), 1)

    carry_v = jnp.full((BM, 1), jnp.inf, jnp.float32)
    carry_t = jnp.zeros((BM, 1), jnp.float32)
    carry_i = jnp.zeros((BM, 1), jnp.int32)
    for j in range(K // KC):
        emb_j = emb_ref[j * KC:(j + 1) * KC, :]
        ze = lax.dot_general(zb, emb_j.astype(jnp.bfloat16),
                             ((( 1,), (1,)), ((), ())),
                             preferred_element_type=jnp.float32)
        embt_j = embt_ref[:, j * KC:(j + 1) * KC]
        esq = jnp.sum(embt_j * embt_j, axis=0, keepdims=True)
        dist = (zsq + esq) - 2.0 * ze
        minv = jnp.min(dist, axis=1, keepdims=True)
        amin = jnp.min(jnp.where(dist == minv, cols, KC),
                       axis=1, keepdims=True) + j * KC
        take = minv < carry_v
        carry_v = jnp.where(take, minv.astype(jnp.bfloat16).astype(jnp.float32),
                            carry_v)
        carry_t = jnp.where(take, minv, carry_t)
        carry_i = jnp.where(take, amin, carry_i)
    idx_ref[...] = carry_i

    @pl.when(i == 0)
    def _():
        loss_ref[0, 0] = 0.0

    loss_ref[0, 0] += jnp.sum(carry_t) * (CCOST / (B * D))


def _entropy_body(bins_ref, out_ref):
    part = bins_ref[...]
    p = jnp.sum(part, axis=0, keepdims=True) * (1.0 / B)
    ent = -jnp.sum(p * jnp.log(p + 1e-10))
    out_ref[0, 0] = jnp.exp(ent)


def _sc_gather_hist(idx, embedding):
    mesh = plsc.VectorSubcoreMesh(core_axis_name="c", subcore_axis_name="s")

    @functools.partial(
        pl.kernel,
        mesh=mesh,
        out_type=[
            jax.ShapeDtypeStruct((B, D), jnp.float32),
            jax.ShapeDtypeStruct((NW, K), jnp.float32),
        ],
        scratch_types=[
            pltpu.VMEM((BPW,), jnp.int32),
            pltpu.VMEM((BPW, D), jnp.float32),
            pltpu.VMEM((K,), jnp.float32),
            pltpu.SemaphoreType.DMA,
        ],
        compiler_params=pltpu.CompilerParams(
            needs_layout_passes=False, use_tc_tiling_on_sc=False
        ),
    )
    def k(emb_hbm, idx_hbm, zq_hbm, bins_hbm, idx_v, rows_v, bins_v, sem):
        wid = lax.axis_index("s") * NC + lax.axis_index("c")
        base = wid * BPW
        pltpu.sync_copy(idx_hbm.at[pl.ds(base, BPW)], idx_v)
        pltpu.async_copy(emb_hbm.at[idx_v], rows_v, sem).wait()
        pltpu.sync_copy(rows_v, zq_hbm.at[pl.ds(base, BPW)])

        zeros16 = jnp.zeros((LANES,), jnp.float32)
        ZU = 16

        def zbody(j, c):
            for u in range(ZU):
                bins_v[pl.ds(j * (LANES * ZU) + u * LANES, LANES)] = zeros16
            return c

        lax.fori_loop(0, K // (LANES * ZU), zbody, 0)

        ones16 = jnp.ones((LANES,), jnp.float32)

        def hbody(j, c):
            iv = idx_v[pl.ds(j * LANES, LANES)]
            plsc.addupdate_scatter(bins_v, [iv], ones16)
            return c

        lax.fori_loop(0, BPW // LANES, hbody, 0)

        pltpu.sync_copy(bins_v, bins_hbm.at[wid])

    return k(embedding, idx)


def kernel(z_e, embedding):
    embt = embedding.T

    idx2, loss = pl.pallas_call(
        _argmin_body,
        grid=(B // BM,),
        in_specs=[
            pl.BlockSpec((BM, D), lambda i: (i, 0)),
            pl.BlockSpec((K, D), lambda i: (0, 0)),
            pl.BlockSpec((D, K), lambda i: (0, 0)),
        ],
        out_specs=[
            pl.BlockSpec((BM, 1), lambda i: (i, 0)),
            pl.BlockSpec(memory_space=pltpu.SMEM),
        ],
        out_shape=[
            jax.ShapeDtypeStruct((B, 1), jnp.int32),
            jax.ShapeDtypeStruct((1, 1), jnp.float32),
        ],
    )(z_e, embedding, embt)
    idx = idx2.reshape(B)

    z_q, bins = _sc_gather_hist(idx, embedding)

    perp = pl.pallas_call(
        _entropy_body,
        out_specs=pl.BlockSpec(memory_space=pltpu.SMEM),
        out_shape=jax.ShapeDtypeStruct((1, 1), jnp.float32),
    )(bins)

    return (z_q, loss.reshape(()), perp.reshape(()), idx)

# --- scband reference (transcript-rebuilt; emitter-appended) ---
"""Pipeline reference for scband-vector-quantizer-ema-2319282339956 (READ-ONLY COPY).

The authoritative reference and input builder live on the scoring server;
editing this copy changes nothing except your own understanding.
"""

import jax, jax.numpy as jnp
import numpy as np

NUM_EMBEDDINGS = 8192
EMBEDDING_DIM = 32
COMMITMENT_COST = 0.25


def setup_inputs(seed: int = 0) -> dict:
    key = jax.random.key(seed)
    k1, k2 = jax.random.split(key)
    z_e = jax.random.normal(k1, (8192, EMBEDDING_DIM), dtype=jnp.float32)
    embedding = jax.random.normal(k2, (NUM_EMBEDDINGS, EMBEDDING_DIM), dtype=jnp.float32)
    return {"z_e": z_e, "embedding": embedding}


def reference(z_e, embedding):
    # distances: ||z||^2 + ||e||^2 - 2 z.e
    z_sq = jnp.sum(z_e ** 2, axis=1, keepdims=True)              # [B, 1]
    e_sq = jnp.sum(embedding ** 2, axis=1)[None, :]              # [1, K]
    ze = jnp.matmul(z_e, embedding.T)                            # [B, K]
    distances = z_sq + e_sq - 2.0 * ze
    encoding_indices = jnp.argmin(distances, axis=1)             # [B]
    encodings = jax.nn.one_hot(encoding_indices, NUM_EMBEDDINGS, dtype=z_e.dtype)  # [B, K]
    # EMA path: z_q via one-hot matmul (equivalent to gather embedding[idx])
    z_q = jnp.matmul(encodings, embedding)                       # [B, D]
    z_q_st = z_e + jax.lax.stop_gradient(z_q - z_e)
    vq_loss = COMMITMENT_COST * jnp.mean((jax.lax.stop_gradient(z_q) - z_e) ** 2)
    avg_probs = jnp.mean(encodings, axis=0)
    perplexity = jnp.exp(-jnp.sum(avg_probs * jnp.log(avg_probs + 1e-10)))
    return (z_q_st, vq_loss, perplexity, encoding_indices)

if __name__ == "__main__":
    import jax
    _d = setup_inputs()
    print(jax.jit(kernel)(*tuple(_d.values())))

</pallas_src>

<mosaic_0001>
#map = affine_map<(d0, d1) -> (0, 0)>
#map1 = affine_map<(d0, d1) -> (0)>
module attributes {stable_mosaic.version = 14 : i64} {
  func.func @k(%arg0: i32, %arg1: i32, %arg2: memref<8192x32xf32, #tpu.memory_space<hbm>>, %arg3: memref<8192xi32, #tpu.memory_space<hbm>>, %arg4: memref<8192x32xf32, #tpu.memory_space<hbm>>, %arg5: memref<32x8192xf32, #tpu.memory_space<hbm>>, %arg6: memref<256xi32, #tpu.memory_space<vmem>>, %arg7: memref<256x32xf32, #tpu.memory_space<vmem>>, %arg8: memref<8192xf32, #tpu.memory_space<vmem>>, %arg9: memref<!tpu.dma_semaphore, #tpu.memory_space<semaphore_mem>>) attributes {dimension_semantics = [#tpu.dimension_semantics<core_parallel>, #tpu.dimension_semantics<subcore_parallel>], iteration_bounds = array<i64: 2, 16>, scalar_prefetch = 0 : i64, scratch_operands = 4 : i64, tpu.core_type = #tpu.core_type<sc_vector_subcore>, window_params = [{transform_indices = #map}, {transform_indices = #map1}, {transform_indices = #map}, {transform_indices = #map}]} {
    %mul3A = arith.constant 2 : i32
    %mul3A_0 = arith.muli %arg1, %mul3A : i32
    %add3A = arith.addi %mul3A_0, %arg0 : i32
    %mul3A_1 = arith.constant 256 : i32
    %mul3A_2 = arith.muli %add3A, %mul3A_1 : i32
    "tpu.region"() ({
      %run_scoped3A = tpu.sem_alloc : memref<!tpu.dma_semaphore, #tpu.memory_space<semaphore_mem>>
      %dma_start3A_21 = tpu.memref_slice %arg3[%mul3A_2] : memref<8192xi32, #tpu.memory_space<hbm>> -> memref<256xi32, #tpu.memory_space<hbm>>
      %dma_start3A_22 = tpu.memref_slice %arg3[%mul3A_2] : memref<8192xi32, #tpu.memory_space<hbm>> -> memref<256xi32, #tpu.memory_space<hbm>>
      tpu.enqueue_dma source(%dma_start3A_22 : memref<256xi32, #tpu.memory_space<hbm>>) target(%arg6 : memref<256xi32, #tpu.memory_space<vmem>>) target_semaphore(%run_scoped3A : memref<!tpu.dma_semaphore, #tpu.memory_space<semaphore_mem>>)
      %dma_wait3A_23 = tpu.memref_slice %arg3[%mul3A_2] : memref<8192xi32, #tpu.memory_space<hbm>> -> memref<256xi32, #tpu.memory_space<hbm>>
      %dma_wait3A_24 = tpu.memref_slice %arg3[%mul3A_2] : memref<8192xi32, #tpu.memory_space<hbm>> -> memref<256xi32, #tpu.memory_space<hbm>>
      tpu.wait_dma2 semaphore(%run_scoped3A : memref<!tpu.dma_semaphore, #tpu.memory_space<semaphore_mem>>) src(%dma_wait3A_24 : memref<256xi32, #tpu.memory_space<hbm>>) dst(%arg6 : memref<256xi32, #tpu.memory_space<vmem>>)
      tpu.yield
    }) : () -> ()
    %dma_start3A = arith.constant 0 : i32
    %dma_start3A_3 = arith.constant 0 : i32
    %dma_start3A_4 = tpu.memref_slice %arg2[%dma_start3A, %dma_start3A_3] : memref<8192x32xf32, #tpu.memory_space<hbm>> -> memref<8192x32xf32, #tpu.memory_space<hbm>>
    tpu.enqueue_indirect_dma source(%dma_start3A_4 : memref<8192x32xf32, #tpu.memory_space<hbm>>) target(%arg7 : memref<256x32xf32, #tpu.memory_space<vmem>>) offsets(%arg6 : memref<256xi32, #tpu.memory_space<vmem>>) semaphore(%arg9 : memref<!tpu.dma_semaphore, #tpu.memory_space<semaphore_mem>>)
    %dma_wait3A = arith.constant 0 : i32
    %dma_wait3A_5 = arith.constant 0 : i32
    %dma_wait3A_6 = tpu.memref_slice %arg2[%dma_wait3A, %dma_wait3A_5] : memref<8192x32xf32, #tpu.memory_space<hbm>> -> memref<8192x32xf32, #tpu.memory_space<hbm>>
    tpu.wait_indirect_dma semaphore(%arg9 : memref<!tpu.dma_semaphore, #tpu.memory_space<semaphore_mem>>) src(%dma_wait3A_6 : memref<8192x32xf32, #tpu.memory_space<hbm>>) dst(%arg7 : memref<256x32xf32, #tpu.memory_space<vmem>>)
    "tpu.region"() ({
      %run_scoped3A = tpu.sem_alloc : memref<!tpu.dma_semaphore, #tpu.memory_space<semaphore_mem>>
      %dma_start3A_21 = arith.constant 0 : i32
      %dma_start3A_22 = tpu.memref_slice %arg4[%mul3A_2, %dma_start3A_21] : memref<8192x32xf32, #tpu.memory_space<hbm>> -> memref<256x32xf32, #tpu.memory_space<hbm>>
      %dma_start3A_23 = arith.constant 0 : i32
      %dma_start3A_24 = tpu.memref_slice %arg4[%mul3A_2, %dma_start3A_23] : memref<8192x32xf32, #tpu.memory_space<hbm>> -> memref<256x32xf32, #tpu.memory_space<hbm>>
      tpu.enqueue_dma source(%arg7 : memref<256x32xf32, #tpu.memory_space<vmem>>) target(%dma_start3A_24 : memref<256x32xf32, #tpu.memory_space<hbm>>) target_semaphore(%run_scoped3A : memref<!tpu.dma_semaphore, #tpu.memory_space<semaphore_mem>>)
      %dma_wait3A_25 = arith.constant 0 : i32
      %dma_wait3A_26 = tpu.memref_slice %arg4[%mul3A_2, %dma_wait3A_25] : memref<8192x32xf32, #tpu.memory_space<hbm>> -> memref<256x32xf32, #tpu.memory_space<hbm>>
      %dma_wait3A_27 = arith.constant 0 : i32
      %dma_wait3A_28 = tpu.memref_slice %arg4[%mul3A_2, %dma_wait3A_27] : memref<8192x32xf32, #tpu.memory_space<hbm>> -> memref<256x32xf32, #tpu.memory_space<hbm>>
      tpu.wait_dma2 semaphore(%run_scoped3A : memref<!tpu.dma_semaphore, #tpu.memory_space<semaphore_mem>>) src(%arg7 : memref<256x32xf32, #tpu.memory_space<vmem>>) dst(%dma_wait3A_28 : memref<256x32xf32, #tpu.memory_space<hbm>>)
      tpu.yield
    }) : () -> ()
    %broadcast_in_dim3A = arith.constant 0.000000e+00 : f32
    %broadcast_in_dim3A_7 = vector.broadcast %broadcast_in_dim3A : f32 to vector<16xf32>
    %scan3A = arith.constant 0 : i32
    %scan3A_8 = arith.constant 0 : i32
    %scan3A_9 = arith.constant 32 : i32
    %scan3A_10 = arith.addi %scan3A_8, %scan3A_9 : i32
    %scan3A_11 = arith.constant 1 : i32
    scf.for %scan3A_21 = %scan3A_8 to %scan3A_10 step %scan3A_11  : i32 {
      %mul3A_22 = arith.constant 256 : i32
      %mul3A_23 = arith.muli %scan3A_21, %mul3A_22 : i32
      %add3A_24 = arith.constant 0 : i32
      %add3A_25 = arith.addi %mul3A_23, %add3A_24 : i32
      %swap3A = arith.index_cast %add3A_25 : i32 to index
      %swap3A_26 = tpu.vector_load %arg8[%swap3A] {strides = array<i32>} : memref<8192xf32, #tpu.memory_space<vmem>>, vector<16xf32>,
      tpu.vector_store %arg8[%swap3A], %broadcast_in_dim3A_7 {strides = array<i32>} : memref<8192xf32, #tpu.memory_space<vmem>>, vector<16xf32>,
      %mul3A_27 = arith.constant 256 : i32
      %mul3A_28 = arith.muli %scan3A_21, %mul3A_27 : i32
      %add3A_29 = arith.constant 16 : i32
      %add3A_30 = arith.addi %mul3A_28, %add3A_29 : i32
      %swap3A_31 = arith.index_cast %add3A_30 : i32 to index
      %swap3A_32 = tpu.vector_load %arg8[%swap3A_31] {strides = array<i32>} : memref<8192xf32, #tpu.memory_space<vmem>>, vector<16xf32>,
      tpu.vector_store %arg8[%swap3A_31], %broadcast_in_dim3A_7 {strides = array<i32>} : memref<8192xf32, #tpu.memory_space<vmem>>, vector<16xf32>,
      %mul3A_33 = arith.constant 256 : i32
      %mul3A_34 = arith.muli %scan3A_21, %mul3A_33 : i32
      %add3A_35 = arith.constant 32 : i32
      %add3A_36 = arith.addi %mul3A_34, %add3A_35 : i32
      %swap3A_37 = arith.index_cast %add3A_36 : i32 to index
      %swap3A_38 = tpu.vector_load %arg8[%swap3A_37] {strides = array<i32>} : memref<8192xf32, #tpu.memory_space<vmem>>, vector<16xf32>,
      tpu.vector_store %arg8[%swap3A_37], %broadcast_in_dim3A_7 {strides = array<i32>} : memref<8192xf32, #tpu.memory_space<vmem>>, vector<16xf32>,
      %mul3A_39 = arith.constant 256 : i32
      %mul3A_40 = arith.muli %scan3A_21, %mul3A_39 : i32
      %add3A_41 = arith.constant 48 : i32
      %add3A_42 = arith.addi %mul3A_40, %add3A_41 : i32
      %swap3A_43 = arith.index_cast %add3A_42 : i32 to index
      %swap3A_44 = tpu.vector_load %arg8[%swap3A_43] {strides = array<i32>} : memref<8192xf32, #tpu.memory_space<vmem>>, vector<16xf32>,
      tpu.vector_store %arg8[%swap3A_43], %broadcast_in_dim3A_7 {strides = array<i32>} : memref<8192xf32, #tpu.memory_space<vmem>>, vector<16xf32>,
      %mul3A_45 = arith.constant 256 : i32
      %mul3A_46 = arith.muli %scan3A_21, %mul3A_45 : i32
      %add3A_47 = arith.constant 64 : i32
      %add3A_48 = arith.addi %mul3A_46, %add3A_47 : i32
      %swap3A_49 = arith.index_cast %add3A_48 : i32 to index
      %swap3A_50 = tpu.vector_load %arg8[%swap3A_49] {strides = array<i32>} : memref<8192xf32, #tpu.memory_space<vmem>>, vector<16xf32>,
      tpu.vector_store %arg8[%swap3A_49], %broadcast_in_dim3A_7 {strides = array<i32>} : memref<8192xf32, #tpu.memory_space<vmem>>, vector<16xf32>,
      %mul3A_51 = arith.constant 256 : i32
      %mul3A_52 = arith.muli %scan3A_21, %mul3A_51 : i32
      %add3A_53 = arith.constant 80 : i32
      %add3A_54 = arith.addi %mul3A_52, %add3A_53 : i32
      %swap3A_55 = arith.index_cast %add3A_54 : i32 to index
      %swap3A_56 = tpu.vector_load %arg8[%swap3A_55] {strides = array<i32>} : memref<8192xf32, #tpu.memory_space<vmem>>, vector<16xf32>,
      tpu.vector_store %arg8[%swap3A_55], %broadcast_in_dim3A_7 {strides = array<i32>} : memref<8192xf32, #tpu.memory_space<vmem>>, vector<16xf32>,
      %mul3A_57 = arith.constant 256 : i32
      %mul3A_58 = arith.muli %scan3A_21, %mul3A_57 : i32
      %add3A_59 = arith.constant 96 : i32
      %add3A_60 = arith.addi %mul3A_58, %add3A_59 : i32
      %swap3A_61 = arith.index_cast %add3A_60 : i32 to index
      %swap3A_62 = tpu.vector_load %arg8[%swap3A_61] {strides = array<i32>} : memref<8192xf32, #tpu.memory_space<vmem>>, vector<16xf32>,
      tpu.vector_store %arg8[%swap3A_61], %broadcast_in_dim3A_7 {strides = array<i32>} : memref<8192xf32, #tpu.memory_space<vmem>>, vector<16xf32>,
      %mul3A_63 = arith.constant 256 : i32
      %mul3A_64 = arith.muli %scan3A_21, %mul3A_63 : i32
      %add3A_65 = arith.constant 112 : i32
      %add3A_66 = arith.addi %mul3A_64, %add3A_65 : i32
      %swap3A_67 = arith.index_cast %add3A_66 : i32 to index
      %swap3A_68 = tpu.vector_load %arg8[%swap3A_67] {strides = array<i32>} : memref<8192xf32, #tpu.memory_space<vmem>>, vector<16xf32>,
      tpu.vector_store %arg8[%swap3A_67], %broadcast_in_dim3A_7 {strides = array<i32>} : memref<8192xf32, #tpu.memory_space<vmem>>, vector<16xf32>,
      %mul3A_69 = arith.constant 256 : i32
      %mul3A_70 = arith.muli %scan3A_21, %mul3A_69 : i32
      %add3A_71 = arith.constant 128 : i32
      %add3A_72 = arith.addi %mul3A_70, %add3A_71 : i32
      %swap3A_73 = arith.index_cast %add3A_72 : i32 to index
      %swap3A_74 = tpu.vector_load %arg8[%swap3A_73] {strides = array<i32>} : memref<8192xf32, #tpu.memory_space<vmem>>, vector<16xf32>,
      tpu.vector_store %arg8[%swap3A_73], %broadcast_in_dim3A_7 {strides = array<i32>} : memref<8192xf32, #tpu.memory_space<vmem>>, vector<16xf32>,
      %mul3A_75 = arith.constant 256 : i32
      %mul3A_76 = arith.muli %scan3A_21, %mul3A_75 : i32
      %add3A_77 = arith.constant 144 : i32
      %add3A_78 = arith.addi %mul3A_76, %add3A_77 : i32
      %swap3A_79 = arith.index_cast %add3A_78 : i32 to index
      %swap3A_80 = tpu.vector_load %arg8[%swap3A_79] {strides = array<i32>} : memref<8192xf32, #tpu.memory_space<vmem>>, vector<16xf32>,
      tpu.vector_store %arg8[%swap3A_79], %broadcast_in_dim3A_7 {strides = array<i32>} : memref<8192xf32, #tpu.memory_space<vmem>>, vector<16xf32>,
      %mul3A_81 = arith.constant 256 : i32
      %mul3A_82 = arith.muli %scan3A_21, %mul3A_81 : i32
      %add3A_83 = arith.constant 160 : i32
      %add3A_84 = arith.addi %mul3A_82, %add3A_83 : i32
      %swap3A_85 = arith.index_cast %add3A_84 : i32 to index
      %swap3A_86 = tpu.vector_load %arg8[%swap3A_85] {strides = array<i32>} : memref<8192xf32, #tpu.memory_space<vmem>>, vector<16xf32>,
      tpu.vector_store %arg8[%swap3A_85], %broadcast_in_dim3A_7 {strides = array<i32>} : memref<8192xf32, #tpu.memory_space<vmem>>, vector<16xf32>,
      %mul3A_87 = arith.constant 256 : i32
      %mul3A_88 = arith.muli %scan3A_21, %mul3A_87 : i32
      %add3A_89 = arith.constant 176 : i32
      %add3A_90 = arith.addi %mul3A_88, %add3A_89 : i32
      %swap3A_91 = arith.index_cast %add3A_90 : i32 to index
      %swap3A_92 = tpu.vector_load %arg8[%swap3A_91] {strides = array<i32>} : memref<8192xf32, #tpu.memory_space<vmem>>, vector<16xf32>,
      tpu.vector_store %arg8[%swap3A_91], %broadcast_in_dim3A_7 {strides = array<i32>} : memref<8192xf32, #tpu.memory_space<vmem>>, vector<16xf32>,
      %mul3A_93 = arith.constant 256 : i32
      %mul3A_94 = arith.muli %scan3A_21, %mul3A_93 : i32
      %add3A_95 = arith.constant 192 : i32
      %add3A_96 = arith.addi %mul3A_94, %add3A_95 : i32
      %swap3A_97 = arith.index_cast %add3A_96 : i32 to index
      %swap3A_98 = tpu.vector_load %arg8[%swap3A_97] {strides = array<i32>} : memref<8192xf32, #tpu.memory_space<vmem>>, vector<16xf32>,
      tpu.vector_store %arg8[%swap3A_97], %broadcast_in_dim3A_7 {strides = array<i32>} : memref<8192xf32, #tpu.memory_space<vmem>>, vector<16xf32>,
      %mul3A_99 = arith.constant 256 : i32
      %mul3A_100 = arith.muli %scan3A_21, %mul3A_99 : i32
      %add3A_101 = arith.constant 208 : i32
      %add3A_102 = arith.addi %mul3A_100, %add3A_101 : i32
      %swap3A_103 = arith.index_cast %add3A_102 : i32 to index
      %swap3A_104 = tpu.vector_load %arg8[%swap3A_103] {strides = array<i32>} : memref<8192xf32, #tpu.memory_space<vmem>>, vector<16xf32>,
      tpu.vector_store %arg8[%swap3A_103], %broadcast_in_dim3A_7 {strides = array<i32>} : memref<8192xf32, #tpu.memory_space<vmem>>, vector<16xf32>,
      %mul3A_105 = arith.constant 256 : i32
      %mul3A_106 = arith.muli %scan3A_21, %mul3A_105 : i32
      %add3A_107 = arith.constant 224 : i32
      %add3A_108 = arith.addi %mul3A_106, %add3A_107 : i32
      %swap3A_109 = arith.index_cast %add3A_108 : i32 to index
      %swap3A_110 = tpu.vector_load %arg8[%swap3A_109] {strides = array<i32>} : memref<8192xf32, #tpu.memory_space<vmem>>, vector<16xf32>,
      tpu.vector_store %arg8[%swap3A_109], %broadcast_in_dim3A_7 {strides = array<i32>} : memref<8192xf32, #tpu.memory_space<vmem>>, vector<16xf32>,
      %mul3A_111 = arith.constant 256 : i32
      %mul3A_112 = arith.muli %scan3A_21, %mul3A_111 : i32
      %add3A_113 = arith.constant 240 : i32
      %add3A_114 = arith.addi %mul3A_112, %add3A_113 : i32
      %swap3A_115 = arith.index_cast %add3A_114 : i32 to index
      %swap3A_116 = tpu.vector_load %arg8[%swap3A_115] {strides = array<i32>} : memref<8192xf32, #tpu.memory_space<vmem>>, vector<16xf32>,
      tpu.vector_store %arg8[%swap3A_115], %broadcast_in_dim3A_7 {strides = array<i32>} : memref<8192xf32, #tpu.memory_space<vmem>>, vector<16xf32>,
    }
    %scan3A_12 = arith.constant 32 : i32
    %broadcast_in_dim3A_13 = arith.constant 1.000000e+00 : f32
    %broadcast_in_dim3A_14 = vector.broadcast %broadcast_in_dim3A_13 : f32 to vector<16xf32>
    %scan3A_15 = arith.constant 0 : i32
    %scan3A_16 = arith.constant 0 : i32
    %scan3A_17 = arith.constant 16 : i32
    %scan3A_18 = arith.addi %scan3A_16, %scan3A_17 : i32
    %scan3A_19 = arith.constant 1 : i32
    scf.for %scan3A_21 = %scan3A_16 to %scan3A_18 step %scan3A_19  : i32 {
      %mul3A_22 = arith.constant 16 : i32
      %mul3A_23 = arith.muli %scan3A_21, %mul3A_22 : i32
      %get3A = arith.index_cast %mul3A_23 : i32 to index
      %get3A_24 = tpu.vector_load %arg6[%get3A] {strides = array<i32>} : memref<256xi32, #tpu.memory_space<vmem>>, vector<16xi32>,
      tpu.vector_store_idx %arg8[%get3A_24], %broadcast_in_dim3A_14 {add = true} : memref<8192xf32, #tpu.memory_space<vmem>>[vector<16xi32>], vector<16xf32>,
    }
    %scan3A_20 = arith.constant 16 : i32
    "tpu.region"() ({
      %run_scoped3A = tpu.sem_alloc : memref<!tpu.dma_semaphore, #tpu.memory_space<semaphore_mem>>
      %dma_start3A_21 = arith.constant 0 : i32
      %dma_start3A_22 = tpu.memref_slice %arg5[%add3A, %dma_start3A_21] : memref<32x8192xf32, #tpu.memory_space<hbm>> -> memref<1x8192xf32, #tpu.memory_space<hbm>>
      %dma_start3A_23 = tpu.memref_squeeze %dma_start3A_22 : memref<1x8192xf32, #tpu.memory_space<hbm>> -> memref<8192xf32, #tpu.memory_space<hbm>>
      %dma_start3A_24 = arith.constant 0 : i32
      %dma_start3A_25 = tpu.memref_slice %arg5[%add3A, %dma_start3A_24] : memref<32x8192xf32, #tpu.memory_space<hbm>> -> memref<1x8192xf32, #tpu.memory_space<hbm>>
      %dma_start3A_26 = tpu.memref_squeeze %dma_start3A_25 : memref<1x8192xf32, #tpu.memory_space<hbm>> -> memref<8192xf32, #tpu.memory_space<hbm>>
      tpu.enqueue_dma source(%arg8 : memref<8192xf32, #tpu.memory_space<vmem>>) target(%dma_start3A_26 : memref<8192xf32, #tpu.memory_space<hbm>>) target_semaphore(%run_scoped3A : memref<!tpu.dma_semaphore, #tpu.memory_space<semaphore_mem>>)
      %dma_wait3A_27 = arith.constant 0 : i32
      %dma_wait3A_28 = tpu.memref_slice %arg5[%add3A, %dma_wait3A_27] : memref<32x8192xf32, #tpu.memory_space<hbm>> -> memref<1x8192xf32, #tpu.memory_space<hbm>>
      %dma_wait3A_29 = tpu.memref_squeeze %dma_wait3A_28 : memref<1x8192xf32, #tpu.memory_space<hbm>> -> memref<8192xf32, #tpu.memory_space<hbm>>
      %dma_wait3A_30 = arith.constant 0 : i32
      %dma_wait3A_31 = tpu.memref_slice %arg5[%add3A, %dma_wait3A_30] : memref<32x8192xf32, #tpu.memory_space<hbm>> -> memref<1x8192xf32, #tpu.memory_space<hbm>>
      %dma_wait3A_32 = tpu.memref_squeeze %dma_wait3A_31 : memref<1x8192xf32, #tpu.memory_space<hbm>> -> memref<8192xf32, #tpu.memory_space<hbm>>
      tpu.wait_dma2 semaphore(%run_scoped3A : memref<!tpu.dma_semaphore, #tpu.memory_space<semaphore_mem>>) src(%arg8 : memref<8192xf32, #tpu.memory_space<vmem>>) dst(%dma_wait3A_32 : memref<8192xf32, #tpu.memory_space<hbm>>)
      tpu.yield
    }) : () -> ()
    return
  }
}

module attributes {stable_mosaic.version = 14 : i64} {
  func.func @_argmin_body(%arg0: i32, %arg1: memref<2048x32xf32, #tpu.memory_space<vmem>>, %arg2: memref<8192x32xf32, #tpu.memory_space<vmem>>, %arg3: memref<32x8192xf32, #tpu.memory_space<vmem>>, %arg4: memref<2048x1xi32, #tpu.memory_space<vmem>>, %arg5: memref<1x1xf32, #tpu.memory_space<smem>>) attributes {dimension_semantics = [#tpu.dimension_semantics<arbitrary>], iteration_bounds = array<i64: 4>, scalar_prefetch = 0 : i64, scratch_operands = 0 : i64, tpu.core_type = #tpu.core_type<tc>, window_params = [{transform_indices = @transform_0, window_bounds = array<i64: 2048, 32>}, {pipeline_mode = #tpu.pipeline_mode<synchronous>, transform_indices = @transform_1, window_bounds = array<i64: 8192, 32>}, {pipeline_mode = #tpu.pipeline_mode<synchronous>, transform_indices = @transform_2, window_bounds = array<i64: 32, 8192>}, {transform_indices = @transform_3, window_bounds = array<i64: 2048, 1>}, {transform_indices = @transform_4, window_bounds = array<i64: 1, 1>}]} {
    %get3A = arith.constant 0 : index
    %get3A_0 = arith.constant 0 : index
    %get3A_1 = vector.load %arg1[%get3A, %get3A_0] : memref<2048x32xf32, #tpu.memory_space<vmem>>, vector<2048x32xf32>
    %convert_element_type3A = arith.truncf %get3A_1 : vector<2048x32xf32> to vector<2048x32xbf16>
    %mul3A = arith.mulf %get3A_1, %get3A_1 : vector<2048x32xf32>
    %reduce_sum3A = arith.constant dense<0.000000e+00> : vector<2048xf32>
    %reduce_sum3A_2 = vector.multi_reduction <add>, %mul3A, %reduce_sum3A [1] : vector<2048x32xf32> to vector<2048xf32>
    %broadcast_in_dim3A = vector.shape_cast %reduce_sum3A_2 : vector<2048xf32> to vector<2048x1xf32>
    %iota3A = tpu.iota {dimensions = array<i32: 1>} : vector<2048x2048xi32>
    %broadcast_in_dim3A_3 = arith.constant 0x7F800000 : f32
    %broadcast_in_dim3A_4 = vector.broadcast %broadcast_in_dim3A_3 : f32 to vector<2048x1xf32>
    %broadcast_in_dim3A_5 = arith.constant 0.000000e+00 : f32
    %broadcast_in_dim3A_6 = vector.broadcast %broadcast_in_dim3A_5 : f32 to vector<2048x1xf32>
    %broadcast_in_dim3A_7 = arith.constant 0 : i32
    %broadcast_in_dim3A_8 = vector.broadcast %broadcast_in_dim3A_7 : i32 to vector<2048x1xi32>
    %get3A_9 = arith.constant 0 : index
    %get3A_10 = arith.constant 0 : index
    %get3A_11 = vector.load %arg2[%get3A_9, %get3A_10] : memref<8192x32xf32, #tpu.memory_space<vmem>>, vector<2048x32xf32>
    %convert_element_type3A_12 = arith.truncf %get3A_11 : vector<2048x32xf32> to vector<2048x32xbf16>
    %dot_general3A = arith.constant dense<0.000000e+00> : vector<2048x2048xf32>
    %dot_general3A_13 = tpu.matmul %convert_element_type3A, %convert_element_type3A_12, %dot_general3A {dimension_numbers = #tpu.dot_dimension_numbers<[1], [1], [0], [0], [0, 0, 1, 0], [], []>, transpose_lhs_hint = false} : vector<2048x32xbf16>, vector<2048x32xbf16>, vector<2048x2048xf32> -> vector<2048x2048xf32>
    %get3A_14 = arith.constant 0 : index
    %get3A_15 = arith.constant 0 : index
    %get3A_16 = vector.load %arg3[%get3A_14, %get3A_15] : memref<32x8192xf32, #tpu.memory_space<vmem>>, vector<32x2048xf32>
    %mul3A_17 = arith.mulf %get3A_16, %get3A_16 : vector<32x2048xf32>
    %reduce_sum3A_18 = arith.constant dense<0.000000e+00> : vector<2048xf32>
    %reduce_sum3A_19 = vector.multi_reduction <add>, %mul3A_17, %reduce_sum3A_18 [0] : vector<32x2048xf32> to vector<2048xf32>
    %broadcast_in_dim3A_20 = vector.shape_cast %reduce_sum3A_19 : vector<2048xf32> to vector<1x2048xf32>
    %add3A = vector.broadcast %broadcast_in_dim3A : vector<2048x1xf32> to vector<2048x2048xf32>
    %add3A_21 = vector.broadcast %broadcast_in_dim3A_20 : vector<1x2048xf32> to vector<2048x2048xf32>
    %add3A_22 = arith.addf %add3A, %add3A_21 : vector<2048x2048xf32>
    %mul3A_23 = arith.constant 2.000000e+00 : f32
    %mul3A_24 = vector.broadcast %mul3A_23 : f32 to vector<2048x2048xf32>
    %mul3A_25 = arith.mulf %mul3A_24, %dot_general3A_13 : vector<2048x2048xf32>
    %sub3A = arith.subf %add3A_22, %mul3A_25 : vector<2048x2048xf32>
    %reduce_min3A = arith.constant dense<0x7F800000> : vector<2048xf32>
    %reduce_min3A_26 = vector.multi_reduction <minimumf>, %sub3A, %reduce_min3A [1] : vector<2048x2048xf32> to vector<2048xf32>
    %broadcast_in_dim3A_27 = vector.shape_cast %reduce_min3A_26 : vector<2048xf32> to vector<2048x1xf32>
    %eq3A = vector.broadcast %broadcast_in_dim3A_27 : vector<2048x1xf32> to vector<2048x2048xf32>
    %eq3A_28 = arith.cmpf oeq, %sub3A, %eq3A : vector<2048x2048xf32>
    %jit3A = arith.constant 2048 : i32
    %broadcast_in_dim3A_29 = vector.broadcast %jit3A : i32 to vector<2048x2048xi32>
    %select_n3A = arith.select %eq3A_28, %iota3A, %broadcast_in_dim3A_29 : vector<2048x2048xi1>, vector<2048x2048xi32>
    %reduce_min3A_30 = arith.constant dense<2147483647> : vector<2048xi32>
    %reduce_min3A_31 = vector.multi_reduction <minsi>, %select_n3A, %reduce_min3A_30 [1] : vector<2048x2048xi32> to vector<2048xi32>
    %broadcast_in_dim3A_32 = vector.shape_cast %reduce_min3A_31 : vector<2048xi32> to vector<2048x1xi32>
    %add3A_33 = arith.constant 0 : i32
    %add3A_34 = vector.broadcast %add3A_33 : i32 to vector<2048x1xi32>
    %add3A_35 = arith.addi %broadcast_in_dim3A_32, %add3A_34 : vector<2048x1xi32>
    %lt3A = arith.cmpf olt, %broadcast_in_dim3A_27, %broadcast_in_dim3A_4 : vector<2048x1xf32>
    %convert_element_type3A_36 = arith.truncf %broadcast_in_dim3A_27 : vector<2048x1xf32> to vector<2048x1xbf16>
    %convert_element_type3A_37 = arith.extf %convert_element_type3A_36 : vector<2048x1xbf16> to vector<2048x1xf32>
    %select_n3A_38 = arith.select %lt3A, %convert_element_type3A_37, %broadcast_in_dim3A_4 : vector<2048x1xi1>, vector<2048x1xf32>
    %select_n3A_39 = arith.select %lt3A, %broadcast_in_dim3A_27, %broadcast_in_dim3A_6 : vector<2048x1xi1>, vector<2048x1xf32>
    %select_n3A_40 = arith.select %lt3A, %add3A_35, %broadcast_in_dim3A_8 : vector<2048x1xi1>, vector<2048x1xi32>
    %get3A_41 = arith.constant 2048 : index
    %get3A_42 = arith.constant 0 : index
    %get3A_43 = vector.load %arg2[%get3A_41, %get3A_42] : memref<8192x32xf32, #tpu.memory_space<vmem>>, vector<2048x32xf32>
    %convert_element_type3A_44 = arith.truncf %get3A_43 : vector<2048x32xf32> to vector<2048x32xbf16>
    %dot_general3A_45 = arith.constant dense<0.000000e+00> : vector<2048x2048xf32>
    %dot_general3A_46 = tpu.matmul %convert_element_type3A, %convert_element_type3A_44, %dot_general3A_45 {dimension_numbers = #tpu.dot_dimension_numbers<[1], [1], [0], [0], [0, 0, 1, 0], [], []>, transpose_lhs_hint = false} : vector<2048x32xbf16>, vector<2048x32xbf16>, vector<2048x2048xf32> -> vector<2048x2048xf32>
    %get3A_47 = arith.constant 0 : index
    %get3A_48 = arith.constant 2048 : index
    %get3A_49 = vector.load %arg3[%get3A_47, %get3A_48] : memref<32x8192xf32, #tpu.memory_space<vmem>>, vector<32x2048xf32>
    %mul3A_50 = arith.mulf %get3A_49, %get3A_49 : vector<32x2048xf32>
    %reduce_sum3A_51 = arith.constant dense<0.000000e+00> : vector<2048xf32>
    %reduce_sum3A_52 = vector.multi_reduction <add>, %mul3A_50, %reduce_sum3A_51 [0] : vector<32x2048xf32> to vector<2048xf32>
    %broadcast_in_dim3A_53 = vector.shape_cast %reduce_sum3A_52 : vector<2048xf32> to vector<1x2048xf32>
    %add3A_54 = vector.broadcast %broadcast_in_dim3A : vector<2048x1xf32> to vector<2048x2048xf32>
    %add3A_55 = vector.broadcast %broadcast_in_dim3A_53 : vector<1x2048xf32> to vector<2048x2048xf32>
    %add3A_56 = arith.addf %add3A_54, %add3A_55 : vector<2048x2048xf32>
    %mul3A_57 = arith.constant 2.000000e+00 : f32
    %mul3A_58 = vector.broadcast %mul3A_57 : f32 to vector<2048x2048xf32>
    %mul3A_59 = arith.mulf %mul3A_58, %dot_general3A_46 : vector<2048x2048xf32>
    %sub3A_60 = arith.subf %add3A_56, %mul3A_59 : vector<2048x2048xf32>
    %reduce_min3A_61 = arith.constant dense<0x7F800000> : vector<2048xf32>
    %reduce_min3A_62 = vector.multi_reduction <minimumf>, %sub3A_60, %reduce_min3A_61 [1] : vector<2048x2048xf32> to vector<2048xf32>
    %broadcast_in_dim3A_63 = vector.shape_cast %reduce_min3A_62 : vector<2048xf32> to vector<2048x1xf32>
    %eq3A_64 = vector.broadcast %broadcast_in_dim3A_63 : vector<2048x1xf32> to vector<2048x2048xf32>
    %eq3A_65 = arith.cmpf oeq, %sub3A_60, %eq3A_64 : vector<2048x2048xf32>
    %jit3A_66 = arith.constant 2048 : i32
    %broadcast_in_dim3A_67 = vector.broadcast %jit3A_66 : i32 to vector<2048x2048xi32>
    %select_n3A_68 = arith.select %eq3A_65, %iota3A, %broadcast_in_dim3A_67 : vector<2048x2048xi1>, vector<2048x2048xi32>
    %reduce_min3A_69 = arith.constant dense<2147483647> : vector<2048xi32>
    %reduce_min3A_70 = vector.multi_reduction <minsi>, %select_n3A_68, %reduce_min3A_69 [1] : vector<2048x2048xi32> to vector<2048xi32>
    %broadcast_in_dim3A_71 = vector.shape_cast %reduce_min3A_70 : vector<2048xi32> to vector<2048x1xi32>
    %add3A_72 = arith.constant 2048 : i32
    %add3A_73 = vector.broadcast %add3A_72 : i32 to vector<2048x1xi32>
    %add3A_74 = arith.addi %broadcast_in_dim3A_71, %add3A_73 : vector<2048x1xi32>
    %lt3A_75 = arith.cmpf olt, %broadcast_in_dim3A_63, %select_n3A_38 : vector<2048x1xf32>
    %convert_element_type3A_76 = arith.truncf %broadcast_in_dim3A_63 : vector<2048x1xf32> to vector<2048x1xbf16>
    %convert_element_type3A_77 = arith.extf %convert_element_type3A_76 : vector<2048x1xbf16> to vector<2048x1xf32>
    %select_n3A_78 = arith.select %lt3A_75, %convert_element_type3A_77, %select_n3A_38 : vector<2048x1xi1>, vector<2048x1xf32>
    %select_n3A_79 = arith.select %lt3A_75, %broadcast_in_dim3A_63, %select_n3A_39 : vector<2048x1xi1>, vector<2048x1xf32>
    %select_n3A_80 = arith.select %lt3A_75, %add3A_74, %select_n3A_40 : vector<2048x1xi1>, vector<2048x1xi32>
    %get3A_81 = arith.constant 4096 : index
    %get3A_82 = arith.constant 0 : index
    %get3A_83 = vector.load %arg2[%get3A_81, %get3A_82] : memref<8192x32xf32, #tpu.memory_space<vmem>>, vector<2048x32xf32>
    %convert_element_type3A_84 = arith.truncf %get3A_83 : vector<2048x32xf32> to vector<2048x32xbf16>
    %dot_general3A_85 = arith.constant dense<0.000000e+00> : vector<2048x2048xf32>
    %dot_general3A_86 = tpu.matmul %convert_element_type3A, %convert_element_type3A_84, %dot_general3A_85 {dimension_numbers = #tpu.dot_dimension_numbers<[1], [1], [0], [0], [0, 0, 1, 0], [], []>, transpose_lhs_hint = false} : vector<2048x32xbf16>, vector<2048x32xbf16>, vector<2048x2048xf32> -> vector<2048x2048xf32>
    %get3A_87 = arith.constant 0 : index
    %get3A_88 = arith.constant 4096 : index
    %get3A_89 = vector.load %arg3[%get3A_87, %get3A_88] : memref<32x8192xf32, #tpu.memory_space<vmem>>, vector<32x2048xf32>
    %mul3A_90 = arith.mulf %get3A_89, %get3A_89 : vector<32x2048xf32>
    %reduce_sum3A_91 = arith.constant dense<0.000000e+00> : vector<2048xf32>
    %reduce_sum3A_92 = vector.multi_reduction <add>, %mul3A_90, %reduce_sum3A_91 [0] : vector<32x2048xf32> to vector<2048xf32>
    %broadcast_in_dim3A_93 = vector.shape_cast %reduce_sum3A_92 : vector<2048xf32> to vector<1x2048xf32>
    %add3A_94 = vector.broadcast %broadcast_in_dim3A : vector<2048x1xf32> to vector<2048x2048xf32>
    %add3A_95 = vector.broadcast %broadcast_in_dim3A_93 : vector<1x2048xf32> to vector<2048x2048xf32>
    %add3A_96 = arith.addf %add3A_94, %add3A_95 : vector<2048x2048xf32>
    %mul3A_97 = arith.constant 2.000000e+00 : f32
    %mul3A_98 = vector.broadcast %mul3A_97 : f32 to vector<2048x2048xf32>
    %mul3A_99 = arith.mulf %mul3A_98, %dot_general3A_86 : vector<2048x2048xf32>
    %sub3A_100 = arith.subf %add3A_96, %mul3A_99 : vector<2048x2048xf32>
    %reduce_min3A_101 = arith.constant dense<0x7F800000> : vector<2048xf32>
    %reduce_min3A_102 = vector.multi_reduction <minimumf>, %sub3A_100, %reduce_min3A_101 [1] : vector<2048x2048xf32> to vector<2048xf32>
    %broadcast_in_dim3A_103 = vector.shape_cast %reduce_min3A_102 : vector<2048xf32> to vector<2048x1xf32>
    %eq3A_104 = vector.broadcast %broadcast_in_dim3A_103 : vector<2048x1xf32> to vector<2048x2048xf32>
    %eq3A_105 = arith.cmpf oeq, %sub3A_100, %eq3A_104 : vector<2048x2048xf32>
    %jit3A_106 = arith.constant 2048 : i32
    %broadcast_in_dim3A_107 = vector.broadcast %jit3A_106 : i32 to vector<2048x2048xi32>
    %select_n3A_108 = arith.select %eq3A_105, %iota3A, %broadcast_in_dim3A_107 : vector<2048x2048xi1>, vector<2048x2048xi32>
    %reduce_min3A_109 = arith.constant dense<2147483647> : vector<2048xi32>
    %reduce_min3A_110 = vector.multi_reduction <minsi>, %select_n3A_108, %reduce_min3A_109 [1] : vector<2048x2048xi32> to vector<2048xi32>
    %broadcast_in_dim3A_111 = vector.shape_cast %reduce_min3A_110 : vector<2048xi32> to vector<2048x1xi32>
    %add3A_112 = arith.constant 4096 : i32
    %add3A_113 = vector.broadcast %add3A_112 : i32 to vector<2048x1xi32>
    %add3A_114 = arith.addi %broadcast_in_dim3A_111, %add3A_113 : vector<2048x1xi32>
    %lt3A_115 = arith.cmpf olt, %broadcast_in_dim3A_103, %select_n3A_78 : vector<2048x1xf32>
    %convert_element_type3A_116 = arith.truncf %broadcast_in_dim3A_103 : vector<2048x1xf32> to vector<2048x1xbf16>
    %convert_element_type3A_117 = arith.extf %convert_element_type3A_116 : vector<2048x1xbf16> to vector<2048x1xf32>
    %select_n3A_118 = arith.select %lt3A_115, %convert_element_type3A_117, %select_n3A_78 : vector<2048x1xi1>, vector<2048x1xf32>
    %select_n3A_119 = arith.select %lt3A_115, %broadcast_in_dim3A_103, %select_n3A_79 : vector<2048x1xi1>, vector<2048x1xf32>
    %select_n3A_120 = arith.select %lt3A_115, %add3A_114, %select_n3A_80 : vector<2048x1xi1>, vector<2048x1xi32>
    %get3A_121 = arith.constant 6144 : index
    %get3A_122 = arith.constant 0 : index
    %get3A_123 = vector.load %arg2[%get3A_121, %get3A_122] : memref<8192x32xf32, #tpu.memory_space<vmem>>, vector<2048x32xf32>
    %convert_element_type3A_124 = arith.truncf %get3A_123 : vector<2048x32xf32> to vector<2048x32xbf16>
    %dot_general3A_125 = arith.constant dense<0.000000e+00> : vector<2048x2048xf32>
    %dot_general3A_126 = tpu.matmul %convert_element_type3A, %convert_element_type3A_124, %dot_general3A_125 {dimension_numbers = #tpu.dot_dimension_numbers<[1], [1], [0], [0], [0, 0, 1, 0], [], []>, transpose_lhs_hint = false} : vector<2048x32xbf16>, vector<2048x32xbf16>, vector<2048x2048xf32> -> vector<2048x2048xf32>
    %get3A_127 = arith.constant 0 : index
    %get3A_128 = arith.constant 6144 : index
    %get3A_129 = vector.load %arg3[%get3A_127, %get3A_128] : memref<32x8192xf32, #tpu.memory_space<vmem>>, vector<32x2048xf32>
    %mul3A_130 = arith.mulf %get3A_129, %get3A_129 : vector<32x2048xf32>
    %reduce_sum3A_131 = arith.constant dense<0.000000e+00> : vector<2048xf32>
    %reduce_sum3A_132 = vector.multi_reduction <add>, %mul3A_130, %reduce_sum3A_131 [0] : vector<32x2048xf32> to vector<2048xf32>
    %broadcast_in_dim3A_133 = vector.shape_cast %reduce_sum3A_132 : vector<2048xf32> to vector<1x2048xf32>
    %add3A_134 = vector.broadcast %broadcast_in_dim3A : vector<2048x1xf32> to vector<2048x2048xf32>
    %add3A_135 = vector.broadcast %broadcast_in_dim3A_133 : vector<1x2048xf32> to vector<2048x2048xf32>
    %add3A_136 = arith.addf %add3A_134, %add3A_135 : vector<2048x2048xf32>
    %mul3A_137 = arith.constant 2.000000e+00 : f32
    %mul3A_138 = vector.broadcast %mul3A_137 : f32 to vector<2048x2048xf32>
    %mul3A_139 = arith.mulf %mul3A_138, %dot_general3A_126 : vector<2048x2048xf32>
    %sub3A_140 = arith.subf %add3A_136, %mul3A_139 : vector<2048x2048xf32>
    %reduce_min3A_141 = arith.constant dense<0x7F800000> : vector<2048xf32>
    %reduce_min3A_142 = vector.multi_reduction <minimumf>, %sub3A_140, %reduce_min3A_141 [1] : vector<2048x2048xf32> to vector<2048xf32>
    %broadcast_in_dim3A_143 = vector.shape_cast %reduce_min3A_142 : vector<2048xf32> to vector<2048x1xf32>
    %eq3A_144 = vector.broadcast %broadcast_in_dim3A_143 : vector<2048x1xf32> to vector<2048x2048xf32>
    %eq3A_145 = arith.cmpf oeq, %sub3A_140, %eq3A_144 : vector<2048x2048xf32>
    %jit3A_146 = arith.constant 2048 : i32
    %broadcast_in_dim3A_147 = vector.broadcast %jit3A_146 : i32 to vector<2048x2048xi32>
    %select_n3A_148 = arith.select %eq3A_145, %iota3A, %broadcast_in_dim3A_147 : vector<2048x2048xi1>, vector<2048x2048xi32>
    %reduce_min3A_149 = arith.constant dense<2147483647> : vector<2048xi32>
    %reduce_min3A_150 = vector.multi_reduction <minsi>, %select_n3A_148, %reduce_min3A_149 [1] : vector<2048x2048xi32> to vector<2048xi32>
    %broadcast_in_dim3A_151 = vector.shape_cast %reduce_min3A_150 : vector<2048xi32> to vector<2048x1xi32>
    %add3A_152 = arith.constant 6144 : i32
    %add3A_153 = vector.broadcast %add3A_152 : i32 to vector<2048x1xi32>
    %add3A_154 = arith.addi %broadcast_in_dim3A_151, %add3A_153 : vector<2048x1xi32>
    %lt3A_155 = arith.cmpf olt, %broadcast_in_dim3A_143, %select_n3A_118 : vector<2048x1xf32>
    %select_n3A_156 = arith.select %lt3A_155, %broadcast_in_dim3A_143, %select_n3A_119 : vector<2048x1xi1>, vector<2048x1xf32>
    %select_n3A_157 = arith.select %lt3A_155, %add3A_154, %select_n3A_120 : vector<2048x1xi1>, vector<2048x1xi32>
    %swap3A = arith.constant 0 : index
    %swap3A_158 = arith.constant 0 : index
    %swap3A_159 = vector.load %arg4[%swap3A, %swap3A_158] : memref<2048x1xi32, #tpu.memory_space<vmem>>, vector<2048x1xi32>
    tpu.vector_store %arg4[%swap3A, %swap3A_158], %select_n3A_157 {strides = array<i32>} : memref<2048x1xi32, #tpu.memory_space<vmem>>, vector<2048x1xi32>,
    %eq3A_160 = arith.constant 0 : i32
    %eq3A_161 = arith.cmpi eq, %arg0, %eq3A_160 : i32
    %convert_element_type3A_162 = arith.extui %eq3A_161 : i1 to i32
    %cond3A = arith.constant 0 : i32
    %cond3A_163 = arith.cmpi ne, %convert_element_type3A_162, %cond3A : i32
    scf.if %cond3A_163 {
      %swap3A_178 = arith.constant 0.000000e+00 : f32
      %swap3A_179 = arith.constant 0 : index
      %swap3A_180 = arith.constant 0 : index
      %swap3A_181 = memref.load %arg5[%swap3A_179, %swap3A_180] : memref<1x1xf32, #tpu.memory_space<smem>>
      memref.store %swap3A_178, %arg5[%swap3A_179, %swap3A_180] : memref<1x1xf32, #tpu.memory_space<smem>>
    } else {
    }
    %get3A_164 = arith.constant 0 : index
    %get3A_165 = arith.constant 0 : index
    %get3A_166 = memref.load %arg5[%get3A_164, %get3A_165] : memref<1x1xf32, #tpu.memory_space<smem>>
    %reduce_sum3A_167 = vector.shape_cast %select_n3A_156 : vector<2048x1xf32> to vector<1x2048x1xf32>
    %reduce_sum3A_168 = arith.constant dense<0.000000e+00> : vector<1xf32>
    %reduce_sum3A_169 = vector.multi_reduction <add>, %reduce_sum3A_167, %reduce_sum3A_168 [1, 2] : vector<1x2048x1xf32> to vector<1xf32>
    %reduce_sum3A_170 = vector.shape_cast %reduce_sum3A_169 : vector<1xf32> to vector<1x1x1xf32>
    %reduce_sum3A_171 = vector.extract %reduce_sum3A_170[0, 0, 0] : f32 from vector<1x1x1xf32>
    %mul3A_172 = arith.constant 9.53674316E-7 : f32
    %mul3A_173 = arith.mulf %reduce_sum3A_171, %mul3A_172 : f32
    %add3A_174 = arith.addf %get3A_166, %mul3A_173 : f32
    %swap3A_175 = arith.constant 0 : index
    %swap3A_176 = arith.constant 0 : index
    %swap3A_177 = memref.load %arg5[%swap3A_175, %swap3A_176] : memref<1x1xf32, #tpu.memory_space<smem>>
    memref.store %add3A_174, %arg5[%swap3A_175, %swap3A_176] : memref<1x1xf32, #tpu.memory_space<smem>>
    return
  }
  func.func @transform_0(%arg0: i32) -> (i32, i32) {
    %c0_i32 = arith.constant 0 : i32
    %c0_i32_0 = arith.constant 0 : i32
    return %arg0, %c0_i32 : i32, i32
  }
  func.func @transform_1(%arg0: i32) -> (i32, i32) {
    %c0_i32 = arith.constant 0 : i32
    %c0_i32_0 = arith.constant 0 : i32
    %c0_i32_1 = arith.constant 0 : i32
    return %c0_i32, %c0_i32_0 : i32, i32
  }
  func.func @transform_2(%arg0: i32) -> (i32, i32) {
    %c0_i32 = arith.constant 0 : i32
    %c0_i32_0 = arith.constant 0 : i32
    %c0_i32_1 = arith.constant 0 : i32
    return %c0_i32, %c0_i32_0 : i32, i32
  }
  func.func @transform_3(%arg0: i32) -> (i32, i32) {
    %c0_i32 = arith.constant 0 : i32
    %c0_i32_0 = arith.constant 0 : i32
    return %arg0, %c0_i32 : i32, i32
  }
  func.func @transform_4(%arg0: i32) -> (i32, i32) {
    %c0_i32 = arith.constant 0 : i32
    %c0_i32_0 = arith.constant 0 : i32
    %c0_i32_1 = arith.constant 0 : i32
    return %c0_i32, %c0_i32_0 : i32, i32
  }
}

module attributes {stable_mosaic.version = 14 : i64} {
  func.func @_entropy_body(%arg0: memref<32x8192xf32, #tpu.memory_space<vmem>>, %arg1: memref<1x1xf32, #tpu.memory_space<smem>>) attributes {dimension_semantics = [], scalar_prefetch = 0 : i64, scratch_operands = 0 : i64, tpu.core_type = #tpu.core_type<tc>} {
    %get3A = arith.constant 0 : index
    %get3A_0 = arith.constant 0 : index
    %get3A_1 = vector.load %arg0[%get3A, %get3A_0] : memref<32x8192xf32, #tpu.memory_space<vmem>>, vector<32x8192xf32>
    %reduce_sum3A = arith.constant dense<0.000000e+00> : vector<8192xf32>
    %reduce_sum3A_2 = vector.multi_reduction <add>, %get3A_1, %reduce_sum3A [0] : vector<32x8192xf32> to vector<8192xf32>
    %broadcast_in_dim3A = vector.shape_cast %reduce_sum3A_2 : vector<8192xf32> to vector<1x8192xf32>
    %mul3A = arith.constant 1.22070313E-4 : f32
    %mul3A_3 = vector.broadcast %mul3A : f32 to vector<1x8192xf32>
    %mul3A_4 = arith.mulf %broadcast_in_dim3A, %mul3A_3 : vector<1x8192xf32>
    %add3A = arith.constant 1.000000e-10 : f32
    %add3A_5 = vector.broadcast %add3A : f32 to vector<1x8192xf32>
    %add3A_6 = arith.addf %mul3A_4, %add3A_5 : vector<1x8192xf32>
    %log3A = math.log %add3A_6 : vector<1x8192xf32>
    %mul3A_7 = arith.mulf %mul3A_4, %log3A : vector<1x8192xf32>
    %reduce_sum3A_8 = vector.shape_cast %mul3A_7 : vector<1x8192xf32> to vector<1x1x8192xf32>
    %reduce_sum3A_9 = arith.constant dense<0.000000e+00> : vector<1xf32>
    %reduce_sum3A_10 = vector.multi_reduction <add>, %reduce_sum3A_8, %reduce_sum3A_9 [1, 2] : vector<1x1x8192xf32> to vector<1xf32>
    %reduce_sum3A_11 = vector.shape_cast %reduce_sum3A_10 : vector<1xf32> to vector<1x1x1xf32>
    %reduce_sum3A_12 = vector.extract %reduce_sum3A_11[0, 0, 0] : f32 from vector<1x1x1xf32>
    %neg3A = arith.constant 0.000000e+00 : f32
    %neg3A_13 = arith.subf %neg3A, %reduce_sum3A_12 : f32
    %exp3A = math.exp %neg3A_13 : f32
    %swap3A = arith.constant 0 : index
    %swap3A_14 = arith.constant 0 : index
    %swap3A_15 = memref.load %arg1[%swap3A, %swap3A_14] : memref<1x1xf32, #tpu.memory_space<smem>>
    memref.store %exp3A, %arg1[%swap3A, %swap3A_14] : memref<1x1xf32, #tpu.memory_space<smem>>
    return
  }
}

</mosaic_0001>

<sc_bundles>
// kernel: kernel.5.cloned.1.call-start
scs
__scs_entry_jumppad:
0x0: {  	(pc) =	sbr.rel $0x88, $3  }
0x1: {  	(tag) =	ssettag $0x0;
	lr =	simm.s32 $0x1  }
0x2: {  	[smem:$0x3F9F] =	sst lr;
	_ =	strace $0xD0000000  }
0x3: {  	_ = 	snop  }
0x4: {  	_ = 	snop  }
0x5: {  	_ = 	snop  }
0x6: {  	_ = 	snop  }
0x7: {  	_ = 	snop  }
__scs_overlays_trampoline_lowered:
0x8: {  	[smem:$0x3FAE] =	sst s0  }
0x9: {  	[smem:$0x3FAF] =	sst s1  }
0xa: {  	[smem:$0x3FB0] =	sst s2  }
0xb: {  	[smem:$0x3FB1] =	sst s3  }
0xc: {  	[smem:$0x3FB2] =	sst s4  }
0xd: {  	[smem:$0x3FB3] =	sst s5  }
0xe: {  	[smem:$0x3FB4] =	sst s6  }
0xf: {  	[smem:$0x3FB5] =	sst s7  }
0x10: {  	[smem:$0x3FB6] =	sst s8  }
0x11: {  	[smem:$0x3FB7] =	sst s9;
	s0 =	simm.s32 @!p0 $0x0  }
0x12: {  	s1 =	sld [smem:$0x3F9D];
	s0 =	simm.s32 @p0 $0x1  }
0x13: {  	[smem:$0x3FB8] =	sst s0;
	s0 =	simm.s32 @!p1 $0x0  }
0x14: {  	s2 =	sld [smem:$0x3F9C];
	s0 =	simm.s32 @p1 $0x1  }
0x15: {  	[smem:$0x3FB9] =	sst s0;
	s0 =	simm.s32 @!p2 $0x0  }
0x16: {  	s3 =	sld [smem:$0x3FDB];
	s0 =	simm.s32 @p2 $0x1  }
0x17: {  	s4 =	simm.s32 $0x1BF5;
	[smem:$0x3FBB] =	sst s0  }
0x18: {  	s0 =	sld [smem:$0x3F9E];
	_ =	swait.ge [sflag:s4], $0x0  }
0x19: {  	s7 =	sld [smem:$0x3F9F]  }
0x1a: {  	s8 =	sadd.s32 $0xFFFFE003, lr  }
0x1b: {  	s9 =	sadd.s32 $0xFFFFFEF7, lr;
	s5 =	simm.s32 $0xFFFFFFFF;
	p2 =	slt.u32 s8, $0xFFFFF086  }
0x1c: {  	p1 =	slt.u32 s9, $0xF7A;
	s5 =	simm.s32 @!p2 $0x0  }
0x1d: {  	s5 =	simm.s32 @p1 $0x1;
	p0 =	seq.s32 s7, s2  }
0x1e: {  	s7 =	smul.u32 @!p0 $0xF7A, s2;
	p2 =	seq.s32 @!p0 s5, $0x0  }
0x1f: {  	s9 =	smul.u32 $0xF7A, s1;
	s8 =	simm.s32 @!p0 $0x1BF5;
	p2 =	por !p2, p0  }
0x20: {  	[sflag:s8] =	ssyncset.s32 @!p0 $0xFFFFF086;
	s6 =	sadd.s32 @!p0 s3, s7;
	s7 =	simm.s32 @!p0 $0x108  }
0x21: {  	s3 =	sadd.s32 s3, s9;
	s6 =	sadd.s32 @!p0 $0x88, s6;
	s7 =	simm.s32 @p2 $0x1082  }
0x22: {  	[simem:s7], [sflag:s8] =	dma.local @!p0 [hbm:s6], $0xF7A  }
0x23: {  	s9 =	sor.u32 $0xD0000000, s2;
	s6 =	simm.s32 $0x108;
	_ =	swait.ge @!p0 [sflag:s8], $0x0  }
0x24: {  	s3 =	sadd.s32 $0x88, s3;
	s6 =	simm.s32 @!p1 $0x1082;
	[sflag:s4] =	ssyncset.s32 $0xFFFFF086  }
0x25: {  	[simem:s6], [sflag:s4] =	dma.local [hbm:s3], $0xF7A  }
0x26: {  	[smem:$0x3F9F] =	sst s1;
	(tag) =	ssettag s2;
	_ =	strace s9  }
0x27: {  	s1 =	sld [smem:$0x3FAF]  }
0x28: {  	s2 =	sld [smem:$0x3FB0]  }
0x29: {  	s4 =	sld [smem:$0x3FB2]  }
0x2a: {  	p0 =	seq.s32 s5, $0x0;
	s5 =	sld [smem:$0x3FB3]  }
0x2b: {  	s6 =	sld [smem:$0x3FB4]  }
0x2c: {  	s7 =	sld [smem:$0x3FB5]  }
0x2d: {  	s3 =	simm.s32 $0x108;
	s8 =	sld [smem:$0x3FB6]  }
0x2e: {  	s3 =	simm.s32 @!p0 $0x1082;
	s9 =	sld [smem:$0x3FB7]  }
0x2f: {  	lr =	sadd.s32 s0, s3;
	s0 =	sld [smem:$0x3FAE]  }
0x30: {  	s3 =	sld [smem:$0x3FB1]  }
0x31: {  	[smem:$0x3FBA] =	sst s10  }
0x32: {  	s10 =	sld [smem:$0x3FB8];
	_ =	sdelay $0x3  }
0x33: {  	p0 =	seq.s32 s10, $0x1;
	s10 =	sld [smem:$0x3FBA];
	_ =	sdelay $0x3  }
0x34: {  	[smem:$0x3FBA] =	sst s10  }
0x35: {  	s10 =	sld [smem:$0x3FB9];
	_ =	sdelay $0x3  }
0x36: {  	p1 =	seq.s32 s10, $0x1;
	s10 =	sld [smem:$0x3FBA];
	_ =	sdelay $0x3  }
0x37: {  	[smem:$0x3FBA] =	sst s10  }
0x38: {  	s10 =	sld [smem:$0x3FBB]  }
0x39: {  	_ = 	snop;
	(pc) =	sbr.ind lr, $3  }
0x3a: {  	_ = 	snop  }
0x3b: {  	_ = 	snop  }
0x3c: {  	p2 =	seq.s32 s10, $0x1;
	s10 =	sld [smem:$0x3FBA]  }
0x3d: {  	_ =	shalt  }
0x3e: {  	_ =	shalt  }
0x3f: {  	_ =	shalt  }
0x40: {  	_ =	shalt  }
0x41: {  	_ =	shalt  }
0x42: {  	_ =	shalt  }
0x43: {  	_ =	shalt  }
0x44: {  	_ =	shalt  }
0x45: {  	_ =	shalt  }
0x46: {  	_ =	shalt  }
0x47: {  	_ =	shalt  }
0x48: {  	_ =	shalt  }
0x49: {  	_ =	shalt  }
0x4a: {  	_ =	shalt  }
0x4b: {  	_ =	shalt  }
0x4c: {  	_ =	shalt  }
0x4d: {  	_ =	shalt  }
0x4e: {  	_ =	shalt  }
0x4f: {  	_ =	shalt  }
0x50: {  	_ =	shalt  }
0x51: {  	_ =	shalt  }
0x52: {  	_ =	shalt  }
0x53: {  	_ =	shalt  }
0x54: {  	_ =	shalt  }
0x55: {  	_ =	shalt  }
0x56: {  	_ =	shalt  }
0x57: {  	_ =	shalt  }
0x58: {  	_ =	shalt  }
0x59: {  	_ =	shalt  }
0x5a: {  	_ =	shalt  }
0x5b: {  	_ =	shalt  }
0x5c: {  	_ =	shalt  }
0x5d: {  	_ =	shalt  }
0x5e: {  	_ =	shalt  }
0x5f: {  	_ =	shalt  }
0x60: {  	_ =	shalt  }
0x61: {  	_ =	shalt  }
0x62: {  	_ =	shalt  }
0x63: {  	_ =	shalt  }
0x64: {  	_ =	shalt  }
0x65: {  	_ =	shalt  }
0x66: {  	_ =	shalt  }
0x67: {  	_ =	shalt  }
0x68: {  	_ =	shalt  }
0x69: {  	_ =	shalt  }
0x6a: {  	_ =	shalt  }
0x6b: {  	_ =	shalt  }
0x6c: {  	_ =	shalt  }
0x6d: {  	_ =	shalt  }
0x6e: {  	_ =	shalt  }
0x6f: {  	_ =	shalt  }
0x70: {  	_ =	shalt  }
0x71: {  	_ =	shalt  }
0x72: {  	_ =	shalt  }
0x73: {  	_ =	shalt  }
0x74: {  	_ =	shalt  }
0x75: {  	_ =	shalt  }
0x76: {  	_ =	shalt  }
0x77: {  	_ =	shalt  }
0x78: {  	_ =	shalt  }
0x79: {  	_ =	shalt  }
0x7a: {  	_ =	shalt  }
0x7b: {  	_ =	shalt  }
0x7c: {  	_ =	shalt  }
0x7d: {  	_ =	shalt  }
0x7e: {  	_ =	shalt  }
0x7f: {  	_ =	shalt  }
0x80: {  	_ =	shalt  }
0x81: {  	_ =	shalt  }
0x82: {  	_ =	shalt  }
0x83: {  	_ =	shalt  }
0x84: {  	_ =	shalt  }
0x85: {  	_ =	shalt  }
0x86: {  	_ =	shalt  }
0x87: {  	_ =	shalt  }
.Lfunc_end0:
.L_simem_size_0:
called_computation_lowered:
.L_overlay_start_0:
0x88: {  	s2 =	sld [smem:$0x3FD9]  }
0x89: {  	s3 =	sld [smem:$0x3FFE];
	_ =	sdelay $0x1  }
0x8a: {  	s1 =	srdreg.scid  }
0x8b: {  	s0 =	sand.u32 $0x1, s1  }
0x8c: {  	s14 =	sshll.u32 s0, $0xA;
	s2 =	sadd.s32 s3, s2  }
0x8d: {  	s2 =	sadd.s32 s2, s14  }
0x8e: {  	[smem:$0x3FC6] =	sst s2  }
0x8f: {  	_ = 	snop  }
0x90: {  	s2 =	sld [smem:$0x3FD0];
	_ =	sdelay $0x2  }
0x91: {  	s15 =	simm.s32 $0xA;
	s4 =	simm.s32 $0x10  }
0x92: {  	[smem:s4], [sflag:s15] =	dma.local [hbm:s2], $0x1  }
0x93: {  	_ =	swait.eq [sflag:s15], $0x1  }
0x94: {  	[sflag:s15] =	ssyncset.done $0x0  }
0x95: {  	s16 =	sld [smem:$0x10];
	[sflag:s15] =	ssyncadd.s32 $0xFFFFFFFF  }
0x96: {  	s17 =	sld [smem:$0x13];
	(tm) =	ssettm $0x1  }
0x97: {  	s18 =	sld [smem:$0x3FFB];
	_ =	sdelay $0x3  }
0x98: {  	_ =	strace s18  }
0x99: {  	s4 =	sld [smem:$0x3FFC];
	_ =	sdelay $0x3  }
0x9a: {  	_ =	strace s4  }
0x9b: {  	s4 =	sld [smem:$0x3FFD];
	_ =	sdelay $0x3  }
0x9c: {  	_ =	strace s4  }
0x9d: {  	_ =	strace $0x8FFFFFFF  }
0x9e: {  	s19 =	sld [smem:$0x3FDB];
	_ =	sdelay $0x1  }
0x9f: {  	s5 =	simm.s32 $_scs_section_size  }
0xa0: {  	s6 =	simm.s32 $_size__tile_overlayer_lowered;
	s7 =	simm.s32 $_tile_overlayer_lowered  }
0xa1: {  	s22 =	simm.s32 $0x1BFF;
	s21 =	sshll.u32 s7, $0x1;
	s4 =	sadd.s32 s5, s19  }
0xa2: {  	s8 =	simm.s32 $0x0;
	s20 =	sshll.u32 s6, $0x1;
	s6 =	sadd.s32 s21, s4  }
0xa3: {  	[timem:s8], [sflag:s22] =	dma.local [hbm:s6], s20  }
0xa4: {  	_ =	swait.ge [sflag:s22], s20  }
0xa5: {  	s5 =	ssub.s32 $0x0, s20;
	[sflag:s22] =	ssyncset.done $0x0  }
0xa6: {  	[sflag:s22] =	ssyncadd.s32 s5;
	_ =	sdelay $0x1  }
0xa7: {  	s23 =	simm.s32 $0x1B8B  }
0xa8: {  	_ =	swait.ge [sflag:s23], $0x1  }
0xa9: {  	[sflag:s23] =	ssyncset.done $0x0  }
0xaa: {  	s25 =	simm.s32 $0x1B8E;
	s24 =	sld [smem:$0x3FFE];
	[sflag:s23] =	ssyncadd.s32 $0xFFFFFFFF  }
0xab: {  	s26 =	simm.s32 $execute0_lowered;
	[smem:$0x3FD2] =	sst s25  }
0xac: {  	s6 =	sshll.u32 s26, $0x1;
	_ =	strace $0x80000046;
	[dreg:$0x1] =	wrdreg $0xFFFFFFFF  }
0xad: {  	s28 =	simm.s32 $_size_execute0_lowered;
	s4 =	sadd.s32 s4, s6;
	[dreg:$0x0] =	wrdreg $0x0  }
0xae: {  	s6 =	sshll.u32 s28, $0x1;
	[dreg:$0x2] =	wrdreg s4  }
0xaf: {  	[dreg:$0x3] =	wrdreg s6  }
0xb0: {  	[dreg:$0x4] =	wrdreg $0xC0  }
0xb1: {  	_ =	task [dreg:s8], $0x5FFFF  }
0xb2: {  	[dreg:$0x1] =	wrdreg $0xFFFFFFFF  }
0xb3: {  	[dreg:$0x0] =	wrdreg $0x60  }
0xb4: {  	[dreg:$0x2] =	wrdreg s16  }
0xb5: {  	[dreg:$0x3] =	wrdreg s17  }
0xb6: {  	[dreg:$0x4] =	wrdreg s24  }
0xb7: {  	[dreg:$0x5] =	wrdreg $0x9  }
0xb8: {  	_ =	task.clear_ibuf [dreg:s8], $0x6FFFF;
	_ =	strace $0x90000046  }
0xb9: {  	s29 =	simm.s32 $0x9;
	_ =	strace $0x80000048  }
0xba: {  	_ =	swait.ge [sflag:s29], $0x1  }
0xbb: {  	[sflag:s29] =	ssyncadd.s32 $0xFFFFFFFF  }
0xbc: {  	_ =	strace $0x90000048  }
0xbd: {  	_ =	sfence  }
0xbe: {  	s30 =	sld [smem:$0x0];
	_ =	sdelay $0x2  }
0xbf: {  	s31 =	sshll.u32 s1, $0xD;
	s1 =	sshrl.u32 s1, $0x2  }
0xc0: {  	s3 =	sand.u32 $0x4000, s31;
	s1 =	sadd.s32 s1, s30  }
0xc1: {  	s0 =	sor.u32 s3, s0;
	s1 =	sshll.u32 s1, $0x11  }
0xc2: {  	s0 =	sor.u32 s1, s0  }
0xc3: {  	s0 =	sadd.s32 $0x8F2B, s0  }
0xc4: {  	[sflag:s0] =	ssyncadd.remote.s32 $0x1  }
0xc5: {  	_ =	sfence.sel $0xFFFF  }
0xc6: {  	[dreg:$0x0] =	wrdreg $0xFFFFFFFF;
	(pc) =	sbr.abs _section_cstart, $3  }
0xc7: {  	[dreg:$0x1] =	wrdreg $0xFFFFFFFF  }
0xc8: {  	_ =	task.clear_ibuf [dreg:s8], $0x2FFFF;
	_ =	strace $0x9FFFFFFF  }
0xc9: {  	(tm) =	ssettm $0x7FFFFFFF  }
tec
execute0_lowered:
.L_overlay_start_1:
0x0: {  	(tag) =	ssettag $0x1  }
0x1: {  	s1 =	rddreg [dreg:$0x0]  }
0x2: {  	s4 =	rddreg [dreg:$0x1]  }
0x3: {  	s5 =	rddreg [dreg:$0x2]  }
0x4: {  	s0 =	rddreg [dreg:$0x3]  }
0x5: {  	s6 =	srdreg.scid;
	s2 =	stileid.u32  }
0x6: {  	s3 =	simm.s32 $0x0;
	s10 =	simm.s32 $0x1;
	s11 =	simm.s32 $0x2100  }
0x7: {  	s12 =	simm.s32 $0x0;
	s6 =	sand.u32 $0x1, s6;
	s7 =	sshll.u32 s2, $0x1  }
0x8: {  	[smem:$0x7FF] =	sst s3;
	s7 =	sor.u32 s6, s7;
	s6 =	ssub.s32 $0x2, s6  }
0x9: {  	_ =	strace $0x80000047;
	s8 =	sshll.u32 s7, $0xA;
	s9 =	sshrl.u32 s6, $0x1  }
0xa: {  	s31 =	sshll.u32 s7, $0x5;
	s8 =	sadd.s32 s8, s5;
	s9 =	ssub.s32 s6, s9  }
0xb: {  	s4 =	sadd.s32 s4, s31;
	s5 =	sadd.s32 $0xC00, s8;
	s6 =	sadd.s32 $0x8C00, s8  }
0xc: {  	v0 =	vimm.f32 $0.0e+00;
	v1 =	vimm.f32 $1.000000000e+00;
	s7 =	smax.u32 s9, $0x1;
	s8 =	simm.s32 $0x2;
	s9 =	simm.s32 $0x100  }
.LBB2_1:
0xd: {  	[tilespmem:s3], [sflag:$0x2] =	stream.linear.gather [hbm4b:s4+s3], $0x100, $0x38;
	[tilespmem:$0x4100] =	vst v63  }
0xe: {  	_ =	swait.ge [sflag:s8], $0x100  }
0xf: {  	[sflag:s8] =	ssyncset.done $0x0  }
0x10: {  	[sflag:s8] =	ssyncadd.s32 $0xFFFFFF00  }
0x11: {  	[tilespmem:s9], [sflag:$0x1] =	stream.indirect.gather [hbm4b:s1+s9], $0x20, s3, s9, $0xb8;
	[tilespmem:$0x4100] =	vst v63  }
0x12: {  	_ =	swait.ge [sflag:s10], $0x2000  }
0x13: {  	[sflag:s10] =	ssyncset.done $0x0  }
0x14: {  	[sflag:s10] =	ssyncadd.s32 $0xFFFFE000  }
0x15: {  	[hbm4b:s5+s3] =	stream.linear.scatter [tilespmem:s9], [sflag:$0x2], $0x2000, $0x38;
	[tilespmem:$0x4100] =	vst v63  }
0x16: {  	_ =	swait.ge [sflag:s8], $0x2000  }
0x17: {  	[sflag:s8] =	ssyncset.done $0x0  }
0x18: {  	s13 =	simm.s32 $0x0;
	s14 =	simm.s32 $0x400;
	[sflag:s8] =	ssyncadd.s32 $0xFFFFE000  }
.LBB2_2:
0x19: {  	p0 =	sne.s32 s14, $0x7C00;
	[tilespmem:s13+$0x21F0] =	vst v0  }
0x1a: {  	[tilespmem:s13+$0x2100] =	vst v0  }
0x1b: {  	[tilespmem:s13+$0x2110] =	vst v0  }
0x1c: {  	[tilespmem:s13+$0x2120] =	vst v0  }
0x1d: {  	[tilespmem:s13+$0x2130] =	vst v0  }
0x1e: {  	[tilespmem:s13+$0x2140] =	vst v0  }
0x1f: {  	[tilespmem:s13+$0x2150] =	vst v0  }
0x20: {  	[tilespmem:s13+$0x2160] =	vst v0  }
0x21: {  	[tilespmem:s13+$0x2170] =	vst v0  }
0x22: {  	[tilespmem:s13+$0x2180] =	vst v0  }
0x23: {  	[tilespmem:s13+$0x2190] =	vst v0  }
.Ltmp0:
0x24: {  	[tilespmem:s13+$0x21A0] =	vst v0;
	(pc) =	sbr.rel @p0 .LBB2_2-.Ltmp0, $4  }
0x25: {  	[tilespmem:s13+$0x21B0] =	vst v0  }
0x26: {  	[tilespmem:s13+$0x21C0] =	vst v0  }
0x27: {  	[tilespmem:s13+$0x21D0] =	vst v0  }
0x28: {  	[tilespmem:s13+$0x21E0] =	vst v0;
	s13 =	sshra.s32 s14, $0x2;
	s14 =	sadd.s32 $0x400, s14  }
0x29: {  	[tilespmem:s13+$0x21F0] =	vst v0  }
0x2a: {  	[tilespmem:s13+$0x2100] =	vst v0  }
0x2b: {  	[tilespmem:s13+$0x2110] =	vst v0  }
0x2c: {  	[tilespmem:s13+$0x2120] =	vst v0  }
0x2d: {  	[tilespmem:s13+$0x2130] =	vst v0  }
0x2e: {  	[tilespmem:s13+$0x2140] =	vst v0  }
0x2f: {  	[tilespmem:s13+$0x2150] =	vst v0  }
0x30: {  	[tilespmem:s13+$0x2160] =	vst v0  }
0x31: {  	[tilespmem:s13+$0x2170] =	vst v0  }
0x32: {  	[tilespmem:s13+$0x2180] =	vst v0  }
0x33: {  	[tilespmem:s13+$0x2190] =	vst v0  }
0x34: {  	[tilespmem:s13+$0x21A0] =	vst v0  }
0x35: {  	[tilespmem:s13+$0x21B0] =	vst v0  }
0x36: {  	[tilespmem:s13+$0x21C0] =	vst v0  }
0x37: {  	[tilespmem:s13+$0x21D0] =	vst v0  }
0x38: {  	[tilespmem:s13+$0x21E0] =	vst v0  }
0x39: {  	v2 =	vld [tilespmem:$0x0];
	_ =	sdelay $0x7  }
0x3a: {  	[tilespmem:v2+s11+$0x0] =	vst.idx.add.f32.msk $0xffff, v1  }
0x3b: {  	v2 =	vld [tilespmem:$0x10];
	_ =	sdelay $0x7  }
0x3c: {  	[tilespmem:v2+s11+$0x0] =	vst.idx.add.f32.msk $0xffff, v1  }
0x3d: {  	v2 =	vld [tilespmem:$0x20];
	_ =	sdelay $0x7  }
0x3e: {  	[tilespmem:v2+s11+$0x0] =	vst.idx.add.f32.msk $0xffff, v1  }
0x3f: {  	v2 =	vld [tilespmem:$0x30];
	_ =	sdelay $0x7  }
0x40: {  	[tilespmem:v2+s11+$0x0] =	vst.idx.add.f32.msk $0xffff, v1  }
0x41: {  	v2 =	vld [tilespmem:$0x40];
	_ =	sdelay $0x7  }
0x42: {  	[tilespmem:v2+s11+$0x0] =	vst.idx.add.f32.msk $0xffff, v1  }
0x43: {  	v2 =	vld [tilespmem:$0x50];
	_ =	sdelay $0x7  }
0x44: {  	[tilespmem:v2+s11+$0x0] =	vst.idx.add.f32.msk $0xffff, v1  }
0x45: {  	v2 =	vld [tilespmem:$0x60];
	_ =	sdelay $0x7  }
0x46: {  	[tilespmem:v2+s11+$0x0] =	vst.idx.add.f32.msk $0xffff, v1  }
0x47: {  	v2 =	vld [tilespmem:$0x70];
	_ =	sdelay $0x7  }
0x48: {  	[tilespmem:v2+s11+$0x0] =	vst.idx.add.f32.msk $0xffff, v1  }
0x49: {  	v2 =	vld [tilespmem:$0x80];
	_ =	sdelay $0x7  }
0x4a: {  	[tilespmem:v2+s11+$0x0] =	vst.idx.add.f32.msk $0xffff, v1  }
0x4b: {  	v2 =	vld [tilespmem:$0x90];
	_ =	sdelay $0x7  }
0x4c: {  	[tilespmem:v2+s11+$0x0] =	vst.idx.add.f32.msk $0xffff, v1  }
0x4d: {  	v2 =	vld [tilespmem:$0xA0];
	_ =	sdelay $0x7  }
0x4e: {  	[tilespmem:v2+s11+$0x0] =	vst.idx.add.f32.msk $0xffff, v1  }
0x4f: {  	v2 =	vld [tilespmem:$0xB0];
	_ =	sdelay $0x7  }
0x50: {  	[tilespmem:v2+s11+$0x0] =	vst.idx.add.f32.msk $0xffff, v1  }
0x51: {  	v2 =	vld [tilespmem:$0xC0];
	_ =	sdelay $0x7  }
0x52: {  	[tilespmem:v2+s11+$0x0] =	vst.idx.add.f32.msk $0xffff, v1  }
0x53: {  	v2 =	vld [tilespmem:$0xD0];
	_ =	sdelay $0x7  }
0x54: {  	[tilespmem:v2+s11+$0x0] =	vst.idx.add.f32.msk $0xffff, v1  }
0x55: {  	v2 =	vld [tilespmem:$0xE0];
	_ =	sdelay $0x7  }
0x56: {  	[tilespmem:v2+s11+$0x0] =	vst.idx.add.f32.msk $0xffff, v1  }
0x57: {  	v2 =	vld [tilespmem:$0xF0];
	_ =	sdelay $0x5  }
0x58: {  	s12 =	sadd.s32 $0x1, s12  }
0x59: {  	p0 =	sne.s32 s12, s7  }
.Ltmp1:
0x5a: {  	[tilespmem:v2+s11+$0x0] =	vst.idx.add.f32.msk $0xffff, v1;
	(pc) =	sbr.rel @p0 .LBB2_1-.Ltmp1, $4  }
0x5b: {  	[hbm4b:s6+s3] =	stream.linear.scatter [tilespmem:s11], [sflag:$0x2], $0x2000, $0x38;
	[tilespmem:$0x4100] =	vst v63  }
0x5c: {  	_ =	swait.ge [sflag:s8], $0x2000  }
0x5d: {  	[sflag:s8] =	ssyncset.done $0x0  }
0x5e: {  	[sflag:s8] =	ssyncadd.s32 $0xFFFFE000  }
0x5f: {  	_ =	sfence.sel $0x180000  }
0x60: {  	[bflag:$0x0] =	sbarrier.arrive $0xFFFF  }
0x61: {  	p0 =	sne.s32 s2, $0x0;
	_ =	strace $0x90000047  }
0x62: {  	s0 =	sadd.s32 @!p0 $0x100000, s0;
	[bflag:$0x2] =	sbarrier.arrive $0xFFFF  }
0x63: {  	[sflag:s0] =	ssyncadd.tile.s32 @!p0 $0x1;
	_ =	shalt  }
.Lfunc_end2:
_tile_overlayer_lowered:
.L_overlay_start_2:
0x64: {  	(tag) =	ssettag $0x2  }
0x65: {  	s0 =	rddreg [dreg:$0x0];
	s2 =	stileid.u32  }
0x66: {  	s1 =	rddreg [dreg:$0x1];
	p0 =	sne.s32 s2, $0x0  }
0x67: {  	s3 =	rddreg [dreg:$0x2];
	[bflag:$0x3] =	sbarrier.arrive $0xFFFF;
	s2 =	simm.s32 @!p0 $0x1C02  }
0x68: {  	[timem:s3], [sflag:s2] =	dma.local @!p0 [hbm:s0], s1  }
0x69: {  	s0 =	simm.s32 @!p0 $0x2  }
0x6a: {  	_ =	swait.ge @!p0 [sflag:s0], s1  }
0x6b: {  	s1 =	ssub.s32 @!p0 $0x0, s1;
	[sflag:s0] =	ssyncset.done @!p0 $0x0  }
0x6c: {  	[sflag:s0] =	ssyncadd.s32 @!p0 s1  }
0x6d: {  	[bflag:$0x3] =	sbarrier.arrive $0xFFFF  }
0x6e: {  	_ =	shalt  }

</sc_bundles>
